<compile_context>
chip_gen: v7x
topology: tpu7x:2x2x1
jax: 0.10.2.dev20260603
libtpu: 0.0.44.dev20260713+nightly
codegen_flags: <defaults>
</compile_context>

<pallas_src>
import functools

import jax
import jax.numpy as jnp
from jax import lax
from jax.experimental import pallas as pl
from jax.experimental.pallas import tpu as pltpu
from jax.experimental.pallas import tpu_sc as plsc

_B = 1024
_V = 100000
_NC = 2
_NS = 16
_NW = _NC * _NS
_BPT = _B // _NW
_L = 16


def _sc_body(w_hbm, tgt_hbm, rew_hbm, out_hbm,
             tgt_v, rew_v, idx_v, win_v, part_v, sem):
    cid = lax.axis_index("c")
    sid = lax.axis_index("s")
    wid = sid * _NC + cid
    base = wid * _BPT
    bblk = wid // 4
    boff = (wid % 4) * _BPT

    pltpu.sync_copy(tgt_hbm.at[pl.ds(base, _BPT)], tgt_v)

    tchunks = [tgt_v[pl.ds(k * _L, _L)] for k in range(_BPT // _L)]
    for k in range(_BPT // _L):
        idx_v[pl.ds(k * _L, _L)] = (tchunks[k] & jnp.int32(~7)) + bblk
    gather = pltpu.make_async_copy(w_hbm.at[idx_v], win_v, sem)
    gather.start()
    pltpu.sync_copy(rew_hbm.at[pl.ds(base, _BPT)], rew_v)
    gather.wait()

    lane = lax.iota(jnp.int32, _L)
    acc = jnp.zeros((_L,), jnp.float32)
    for k in range(_BPT // _L):
        js = k * _L + lane
        subs = tchunks[k] & 7
        lanes = boff + js
        vals = plsc.load_gather(win_v, [js, subs, lanes])
        acc = acc + vals * rew_v[pl.ds(k * _L, _L)]
    part_v[...] = -acc
    pltpu.sync_copy(part_v, out_hbm.at[wid])


_sc_call = functools.partial(
    pl.kernel,
    mesh=plsc.VectorSubcoreMesh(core_axis_name="c", subcore_axis_name="s"),
    out_type=jax.ShapeDtypeStruct((_NW, _L), jnp.float32),
    compiler_params=pltpu.CompilerParams(
        needs_layout_passes=False, skip_device_barrier=True),
    scratch_types=[
        pltpu.VMEM((_BPT,), jnp.int32),
        pltpu.VMEM((_BPT,), jnp.float32),
        pltpu.VMEM((_BPT,), jnp.int32),
        pltpu.VMEM((_BPT, 8, 128), jnp.float32),
        pltpu.VMEM((_L,), jnp.float32),
        pltpu.SemaphoreType.DMA,
    ],
)(_sc_body)


def kernel(pred, target, reward):
    w = (pred.T.reshape(_V // 8, 8, 8, 128)
         .transpose(0, 2, 1, 3)
         .reshape(_V, 8, 128))
    parts = _sc_call(w, target.astype(jnp.int32), reward)
    return jnp.sum(parts)

# --- scband reference (transcript-rebuilt; emitter-appended) ---
"""Pipeline reference for scband-adversarial-loss-15607911153803 (READ-ONLY COPY).

The authoritative reference and input builder live on the scoring server;
editing this copy changes nothing except your own understanding.
"""

import jax, jax.numpy as jnp
import numpy as np

B = 1024
V = 100000


def setup_inputs(seed: int = 0) -> dict:
    key = jax.random.key(seed)
    k1, k2, k3 = jax.random.split(key, 3)
    pred = jax.random.normal(k1, (B, V), dtype=jnp.float32)
    target = jax.random.randint(k2, (B,), 0, V, dtype=jnp.int32)
    reward = jax.random.uniform(k3, (B,), dtype=jnp.float32)
    return {"pred": pred, "target": target, "reward": reward}


def reference(pred, target, reward):
    # one_hot.scatter_(1, target.view(-1,1), 1); masked_select(pred, one_hot)
    # is equivalent to gathering pred at the target index of each row
    # (exactly one hot entry per row since target is a single index per row).
    gathered = jnp.take_along_axis(pred, target.astype(jnp.int32)[:, None], axis=1)[:, 0]
    loss = gathered * reward.reshape(-1)
    return -jnp.sum(loss)

if __name__ == "__main__":
    import jax
    _d = setup_inputs()
    print(jax.jit(kernel)(*tuple(_d.values())))

</pallas_src>

<mosaic_0001>
#map = affine_map<(d0, d1) -> (0, 0, 0)>
#map1 = affine_map<(d0, d1) -> (0)>
#map2 = affine_map<(d0, d1) -> (0, 0)>
module attributes {stable_mosaic.version = 14 : i64} {
  func.func @_sc_body(%arg0: i32, %arg1: i32, %arg2: memref<100000x8x128xf32, #tpu.memory_space<hbm>>, %arg3: memref<1024xi32, #tpu.memory_space<hbm>>, %arg4: memref<1024xf32, #tpu.memory_space<hbm>>, %arg5: memref<32x16xf32, #tpu.memory_space<hbm>>, %arg6: memref<32xi32, #tpu.memory_space<vmem>>, %arg7: memref<32xf32, #tpu.memory_space<vmem>>, %arg8: memref<32xi32, #tpu.memory_space<vmem>>, %arg9: memref<32x8x128xf32, #tpu.memory_space<vmem>>, %arg10: memref<16xf32, #tpu.memory_space<vmem>>, %arg11: memref<!tpu.dma_semaphore, #tpu.memory_space<semaphore_mem>>) attributes {dimension_semantics = [#tpu.dimension_semantics<core_parallel>, #tpu.dimension_semantics<subcore_parallel>], iteration_bounds = array<i64: 2, 16>, scalar_prefetch = 0 : i64, scratch_operands = 6 : i64, tpu.core_type = #tpu.core_type<sc_vector_subcore>, window_params = [{transform_indices = #map}, {transform_indices = #map1}, {transform_indices = #map1}, {transform_indices = #map2}]} {
    %mul3A = arith.constant 2 : i32
    %mul3A_0 = arith.muli %arg1, %mul3A : i32
    %add3A = arith.addi %mul3A_0, %arg0 : i32
    %mul3A_1 = arith.constant 32 : i32
    %mul3A_2 = arith.muli %add3A, %mul3A_1 : i32
    %jit3A = arith.constant 4 : i32
    %div3A = arith.divsi %add3A, %jit3A : i32
    %sign3A = arith.constant 0 : i32
    %sign3A_3 = arith.cmpi sgt, %add3A, %sign3A : i32
    %sign3A_4 = arith.extui %sign3A_3 : i1 to i32
    %sign3A_5 = arith.constant 0 : i32
    %sign3A_6 = arith.cmpi slt, %add3A, %sign3A_5 : i32
    %sign3A_7 = arith.extui %sign3A_6 : i1 to i32
    %sign3A_8 = arith.subi %sign3A_4, %sign3A_7 : i32
    %sign3A_9 = arith.constant 0 : i32
    %sign3A_10 = arith.cmpi sgt, %jit3A, %sign3A_9 : i32
    %sign3A_11 = arith.extui %sign3A_10 : i1 to i32
    %sign3A_12 = arith.constant 0 : i32
    %sign3A_13 = arith.cmpi slt, %jit3A, %sign3A_12 : i32
    %sign3A_14 = arith.extui %sign3A_13 : i1 to i32
    %sign3A_15 = arith.subi %sign3A_11, %sign3A_14 : i32
    %ne3A = arith.cmpi ne, %sign3A_8, %sign3A_15 : i32
    %rem3A = arith.remsi %add3A, %jit3A : i32
    %ne3A_16 = arith.constant 0 : i32
    %ne3A_17 = arith.cmpi ne, %rem3A, %ne3A_16 : i32
    %and3A = arith.andi %ne3A, %ne3A_17 : i1
    %sub3A = arith.constant 1 : i32
    %sub3A_18 = arith.subi %div3A, %sub3A : i32
    %select_n3A = arith.select %and3A, %sub3A_18, %div3A : i32
    %jit3A_19 = arith.constant 4 : i32
    %eq3A = arith.constant 0 : i32
    %eq3A_20 = arith.cmpi eq, %jit3A_19, %eq3A : i32
    %jit3A_21 = arith.constant 1 : i32
    %select_n3A_22 = arith.select %eq3A_20, %jit3A_21, %jit3A_19 : i32
    %rem3A_23 = arith.remsi %add3A, %select_n3A_22 : i32
    %ne3A_24 = arith.constant 0 : i32
    %ne3A_25 = arith.cmpi ne, %rem3A_23, %ne3A_24 : i32
    %lt3A = arith.constant 0 : i32
    %lt3A_26 = arith.cmpi slt, %rem3A_23, %lt3A : i32
    %lt3A_27 = arith.constant 0 : i32
    %lt3A_28 = arith.cmpi slt, %select_n3A_22, %lt3A_27 : i32
    %ne3A_29 = arith.xori %lt3A_26, %lt3A_28 : i1
    %and3A_30 = arith.andi %ne3A_29, %ne3A_25 : i1
    %add3A_31 = arith.addi %rem3A_23, %select_n3A_22 : i32
    %select_n3A_32 = arith.select %and3A_30, %add3A_31, %rem3A_23 : i32
    %mul3A_33 = arith.constant 32 : i32
    %mul3A_34 = arith.muli %select_n3A_32, %mul3A_33 : i32
    "tpu.region"() ({
      %run_scoped3A = tpu.sem_alloc : memref<!tpu.dma_semaphore, #tpu.memory_space<semaphore_mem>>
      %dma_start3A_87 = tpu.memref_slice %arg3[%mul3A_2] : memref<1024xi32, #tpu.memory_space<hbm>> -> memref<32xi32, #tpu.memory_space<hbm>>
      %dma_start3A_88 = tpu.memref_slice %arg3[%mul3A_2] : memref<1024xi32, #tpu.memory_space<hbm>> -> memref<32xi32, #tpu.memory_space<hbm>>
      tpu.enqueue_dma source(%dma_start3A_88 : memref<32xi32, #tpu.memory_space<hbm>>) target(%arg6 : memref<32xi32, #tpu.memory_space<vmem>>) target_semaphore(%run_scoped3A : memref<!tpu.dma_semaphore, #tpu.memory_space<semaphore_mem>>)
      %dma_wait3A_89 = tpu.memref_slice %arg3[%mul3A_2] : memref<1024xi32, #tpu.memory_space<hbm>> -> memref<32xi32, #tpu.memory_space<hbm>>
      %dma_wait3A_90 = tpu.memref_slice %arg3[%mul3A_2] : memref<1024xi32, #tpu.memory_space<hbm>> -> memref<32xi32, #tpu.memory_space<hbm>>
      tpu.wait_dma2 semaphore(%run_scoped3A : memref<!tpu.dma_semaphore, #tpu.memory_space<semaphore_mem>>) src(%dma_wait3A_90 : memref<32xi32, #tpu.memory_space<hbm>>) dst(%arg6 : memref<32xi32, #tpu.memory_space<vmem>>)
      tpu.yield
    }) : () -> ()
    %get3A = arith.constant 0 : index
    %get3A_35 = tpu.vector_load %arg6[%get3A] {strides = array<i32>} : memref<32xi32, #tpu.memory_space<vmem>>, vector<16xi32>,
    %get3A_36 = arith.constant 16 : index
    %get3A_37 = tpu.vector_load %arg6[%get3A_36] {strides = array<i32>} : memref<32xi32, #tpu.memory_space<vmem>>, vector<16xi32>,
    %and3A_38 = arith.constant -8 : i32
    %and3A_39 = vector.broadcast %and3A_38 : i32 to vector<16xi32>
    %and3A_40 = arith.andi %get3A_35, %and3A_39 : vector<16xi32>
    %add3A_41 = vector.broadcast %select_n3A : i32 to vector<16xi32>
    %add3A_42 = arith.addi %and3A_40, %add3A_41 : vector<16xi32>
    %swap3A = arith.constant 0 : index
    %swap3A_43 = tpu.vector_load %arg8[%swap3A] {strides = array<i32>} : memref<32xi32, #tpu.memory_space<vmem>>, vector<16xi32>,
    tpu.vector_store %arg8[%swap3A], %add3A_42 {strides = array<i32>} : memref<32xi32, #tpu.memory_space<vmem>>, vector<16xi32>,
    %and3A_44 = arith.constant -8 : i32
    %and3A_45 = vector.broadcast %and3A_44 : i32 to vector<16xi32>
    %and3A_46 = arith.andi %get3A_37, %and3A_45 : vector<16xi32>
    %add3A_47 = vector.broadcast %select_n3A : i32 to vector<16xi32>
    %add3A_48 = arith.addi %and3A_46, %add3A_47 : vector<16xi32>
    %swap3A_49 = arith.constant 16 : index
    %swap3A_50 = tpu.vector_load %arg8[%swap3A_49] {strides = array<i32>} : memref<32xi32, #tpu.memory_space<vmem>>, vector<16xi32>,
    tpu.vector_store %arg8[%swap3A_49], %add3A_48 {strides = array<i32>} : memref<32xi32, #tpu.memory_space<vmem>>, vector<16xi32>,
    %dma_start3A = arith.constant 0 : i32
    %dma_start3A_51 = arith.constant 0 : i32
    %dma_start3A_52 = arith.constant 0 : i32
    %dma_start3A_53 = tpu.memref_slice %arg2[%dma_start3A, %dma_start3A_51, %dma_start3A_52] : memref<100000x8x128xf32, #tpu.memory_space<hbm>> -> memref<100000x8x128xf32, #tpu.memory_space<hbm>>
    tpu.enqueue_indirect_dma source(%dma_start3A_53 : memref<100000x8x128xf32, #tpu.memory_space<hbm>>) target(%arg9 : memref<32x8x128xf32, #tpu.memory_space<vmem>>) offsets(%arg8 : memref<32xi32, #tpu.memory_space<vmem>>) semaphore(%arg11 : memref<!tpu.dma_semaphore, #tpu.memory_space<semaphore_mem>>)
    "tpu.region"() ({
      %run_scoped3A = tpu.sem_alloc : memref<!tpu.dma_semaphore, #tpu.memory_space<semaphore_mem>>
      %dma_start3A_87 = tpu.memref_slice %arg4[%mul3A_2] : memref<1024xf32, #tpu.memory_space<hbm>> -> memref<32xf32, #tpu.memory_space<hbm>>
      %dma_start3A_88 = tpu.memref_slice %arg4[%mul3A_2] : memref<1024xf32, #tpu.memory_space<hbm>> -> memref<32xf32, #tpu.memory_space<hbm>>
      tpu.enqueue_dma source(%dma_start3A_88 : memref<32xf32, #tpu.memory_space<hbm>>) target(%arg7 : memref<32xf32, #tpu.memory_space<vmem>>) target_semaphore(%run_scoped3A : memref<!tpu.dma_semaphore, #tpu.memory_space<semaphore_mem>>)
      %dma_wait3A_89 = tpu.memref_slice %arg4[%mul3A_2] : memref<1024xf32, #tpu.memory_space<hbm>> -> memref<32xf32, #tpu.memory_space<hbm>>
      %dma_wait3A_90 = tpu.memref_slice %arg4[%mul3A_2] : memref<1024xf32, #tpu.memory_space<hbm>> -> memref<32xf32, #tpu.memory_space<hbm>>
      tpu.wait_dma2 semaphore(%run_scoped3A : memref<!tpu.dma_semaphore, #tpu.memory_space<semaphore_mem>>) src(%dma_wait3A_90 : memref<32xf32, #tpu.memory_space<hbm>>) dst(%arg7 : memref<32xf32, #tpu.memory_space<vmem>>)
      tpu.yield
    }) : () -> ()
    %dma_wait3A = arith.constant 0 : i32
    %dma_wait3A_54 = arith.constant 0 : i32
    %dma_wait3A_55 = arith.constant 0 : i32
    %dma_wait3A_56 = tpu.memref_slice %arg2[%dma_wait3A, %dma_wait3A_54, %dma_wait3A_55] : memref<100000x8x128xf32, #tpu.memory_space<hbm>> -> memref<100000x8x128xf32, #tpu.memory_space<hbm>>
    tpu.wait_indirect_dma semaphore(%arg11 : memref<!tpu.dma_semaphore, #tpu.memory_space<semaphore_mem>>) src(%dma_wait3A_56 : memref<100000x8x128xf32, #tpu.memory_space<hbm>>) dst(%arg9 : memref<32x8x128xf32, #tpu.memory_space<vmem>>)
    %iota3A = tpu.iota {dimensions = array<i32: 0>} : vector<16xi32>
    %broadcast_in_dim3A = arith.constant 0.000000e+00 : f32
    %broadcast_in_dim3A_57 = vector.broadcast %broadcast_in_dim3A : f32 to vector<16xf32>
    %add3A_58 = arith.constant 0 : i32
    %add3A_59 = vector.broadcast %add3A_58 : i32 to vector<16xi32>
    %add3A_60 = arith.addi %add3A_59, %iota3A : vector<16xi32>
    %and3A_61 = arith.constant 7 : i32
    %and3A_62 = vector.broadcast %and3A_61 : i32 to vector<16xi32>
    %and3A_63 = arith.andi %get3A_35, %and3A_62 : vector<16xi32>
    %add3A_64 = vector.broadcast %mul3A_34 : i32 to vector<16xi32>
    %add3A_65 = arith.addi %add3A_64, %add3A_60 : vector<16xi32>
    %gather3A = tpu.vector_load_idx %arg9[%add3A_60, %and3A_63, %add3A_65] : memref<32x8x128xf32, #tpu.memory_space<vmem>>[vector<16xi32>, vector<16xi32>, vector<16xi32>], vector<16xf32>,
    %get3A_66 = arith.constant 0 : index
    %get3A_67 = tpu.vector_load %arg7[%get3A_66] {strides = array<i32>} : memref<32xf32, #tpu.memory_space<vmem>>, vector<16xf32>,
    %mul3A_68 = arith.mulf %gather3A, %get3A_67 : vector<16xf32>
    %add3A_69 = arith.addf %broadcast_in_dim3A_57, %mul3A_68 : vector<16xf32>
    %add3A_70 = arith.constant 16 : i32
    %add3A_71 = vector.broadcast %add3A_70 : i32 to vector<16xi32>
    %add3A_72 = arith.addi %add3A_71, %iota3A : vector<16xi32>
    %and3A_73 = arith.constant 7 : i32
    %and3A_74 = vector.broadcast %and3A_73 : i32 to vector<16xi32>
    %and3A_75 = arith.andi %get3A_37, %and3A_74 : vector<16xi32>
    %add3A_76 = vector.broadcast %mul3A_34 : i32 to vector<16xi32>
    %add3A_77 = arith.addi %add3A_76, %add3A_72 : vector<16xi32>
    %gather3A_78 = tpu.vector_load_idx %arg9[%add3A_72, %and3A_75, %add3A_77] : memref<32x8x128xf32, #tpu.memory_space<vmem>>[vector<16xi32>, vector<16xi32>, vector<16xi32>], vector<16xf32>,
    %get3A_79 = arith.constant 16 : index
    %get3A_80 = tpu.vector_load %arg7[%get3A_79] {strides = array<i32>} : memref<32xf32, #tpu.memory_space<vmem>>, vector<16xf32>,
    %mul3A_81 = arith.mulf %gather3A_78, %get3A_80 : vector<16xf32>
    %add3A_82 = arith.addf %add3A_69, %mul3A_81 : vector<16xf32>
    %neg3A = arith.constant 0.000000e+00 : f32
    %neg3A_83 = vector.broadcast %neg3A : f32 to vector<16xf32>
    %neg3A_84 = arith.subf %neg3A_83, %add3A_82 : vector<16xf32>
    %swap3A_85 = arith.constant 0 : index
    %swap3A_86 = tpu.vector_load %arg10[%swap3A_85] {strides = array<i32>} : memref<16xf32, #tpu.memory_space<vmem>>, vector<16xf32>,
    tpu.vector_store %arg10[%swap3A_85], %neg3A_84 {strides = array<i32>} : memref<16xf32, #tpu.memory_space<vmem>>, vector<16xf32>,
    "tpu.region"() ({
      %run_scoped3A = tpu.sem_alloc : memref<!tpu.dma_semaphore, #tpu.memory_space<semaphore_mem>>
      %dma_start3A_87 = arith.constant 0 : i32
      %dma_start3A_88 = tpu.memref_slice %arg5[%add3A, %dma_start3A_87] : memref<32x16xf32, #tpu.memory_space<hbm>> -> memref<1x16xf32, #tpu.memory_space<hbm>>
      %dma_start3A_89 = tpu.memref_squeeze %dma_start3A_88 : memref<1x16xf32, #tpu.memory_space<hbm>> -> memref<16xf32, #tpu.memory_space<hbm>>
      %dma_start3A_90 = arith.constant 0 : i32
      %dma_start3A_91 = tpu.memref_slice %arg5[%add3A, %dma_start3A_90] : memref<32x16xf32, #tpu.memory_space<hbm>> -> memref<1x16xf32, #tpu.memory_space<hbm>>
      %dma_start3A_92 = tpu.memref_squeeze %dma_start3A_91 : memref<1x16xf32, #tpu.memory_space<hbm>> -> memref<16xf32, #tpu.memory_space<hbm>>
      tpu.enqueue_dma source(%arg10 : memref<16xf32, #tpu.memory_space<vmem>>) target(%dma_start3A_92 : memref<16xf32, #tpu.memory_space<hbm>>) target_semaphore(%run_scoped3A : memref<!tpu.dma_semaphore, #tpu.memory_space<semaphore_mem>>)
      %dma_wait3A_93 = arith.constant 0 : i32
      %dma_wait3A_94 = tpu.memref_slice %arg5[%add3A, %dma_wait3A_93] : memref<32x16xf32, #tpu.memory_space<hbm>> -> memref<1x16xf32, #tpu.memory_space<hbm>>
      %dma_wait3A_95 = tpu.memref_squeeze %dma_wait3A_94 : memref<1x16xf32, #tpu.memory_space<hbm>> -> memref<16xf32, #tpu.memory_space<hbm>>
      %dma_wait3A_96 = arith.constant 0 : i32
      %dma_wait3A_97 = tpu.memref_slice %arg5[%add3A, %dma_wait3A_96] : memref<32x16xf32, #tpu.memory_space<hbm>> -> memref<1x16xf32, #tpu.memory_space<hbm>>
      %dma_wait3A_98 = tpu.memref_squeeze %dma_wait3A_97 : memref<1x16xf32, #tpu.memory_space<hbm>> -> memref<16xf32, #tpu.memory_space<hbm>>
      tpu.wait_dma2 semaphore(%run_scoped3A : memref<!tpu.dma_semaphore, #tpu.memory_space<semaphore_mem>>) src(%arg10 : memref<16xf32, #tpu.memory_space<vmem>>) dst(%dma_wait3A_98 : memref<16xf32, #tpu.memory_space<hbm>>)
      tpu.yield
    }) : () -> ()
    return
  }
}

</mosaic_0001>

<sc_bundles>
// kernel: kernel.3.cloned.1.call-start
scs
__scs_entry_jumppad:
0x0: {  	(pc) =	sbr.rel $0x88, $3  }
0x1: {  	(tag) =	ssettag $0x0;
	lr =	simm.s32 $0x1  }
0x2: {  	[smem:$0x3F9E] =	sst lr;
	_ =	strace $0xD0000000  }
0x3: {  	_ = 	snop  }
0x4: {  	_ = 	snop  }
0x5: {  	_ = 	snop  }
0x6: {  	_ = 	snop  }
0x7: {  	_ = 	snop  }
__scs_overlays_trampoline_lowered:
0x8: {  	[smem:$0x3FAD] =	sst s0  }
0x9: {  	[smem:$0x3FAE] =	sst s1  }
0xa: {  	[smem:$0x3FAF] =	sst s2  }
0xb: {  	[smem:$0x3FB0] =	sst s3  }
0xc: {  	[smem:$0x3FB1] =	sst s4  }
0xd: {  	[smem:$0x3FB2] =	sst s5  }
0xe: {  	[smem:$0x3FB3] =	sst s6  }
0xf: {  	[smem:$0x3FB4] =	sst s7  }
0x10: {  	[smem:$0x3FB5] =	sst s8  }
0x11: {  	[smem:$0x3FB6] =	sst s9;
	s0 =	simm.s32 @!p0 $0x0  }
0x12: {  	s1 =	sld [smem:$0x3F9C];
	s0 =	simm.s32 @p0 $0x1  }
0x13: {  	[smem:$0x3FB7] =	sst s0;
	s0 =	simm.s32 @!p1 $0x0  }
0x14: {  	s2 =	sld [smem:$0x3F9B];
	s0 =	simm.s32 @p1 $0x1  }
0x15: {  	[smem:$0x3FB8] =	sst s0;
	s0 =	simm.s32 @!p2 $0x0  }
0x16: {  	s3 =	sld [smem:$0x3FDB];
	s0 =	simm.s32 @p2 $0x1  }
0x17: {  	s4 =	simm.s32 $0x1BF5;
	[smem:$0x3FBA] =	sst s0  }
0x18: {  	s0 =	sld [smem:$0x3F9D];
	_ =	swait.ge [sflag:s4], $0x0  }
0x19: {  	s7 =	sld [smem:$0x3F9E]  }
0x1a: {  	s8 =	sadd.s32 $0xFFFFE003, lr  }
0x1b: {  	s9 =	sadd.s32 $0xFFFFFEF7, lr;
	s5 =	simm.s32 $0xFFFFFFFF;
	p2 =	slt.u32 s8, $0xFFFFF086  }
0x1c: {  	p1 =	slt.u32 s9, $0xF7A;
	s5 =	simm.s32 @!p2 $0x0  }
0x1d: {  	s5 =	simm.s32 @p1 $0x1;
	p0 =	seq.s32 s7, s2  }
0x1e: {  	s7 =	smul.u32 @!p0 $0xF7A, s2;
	p2 =	seq.s32 @!p0 s5, $0x0  }
0x1f: {  	s9 =	smul.u32 $0xF7A, s1;
	s8 =	simm.s32 @!p0 $0x1BF5;
	p2 =	por !p2, p0  }
0x20: {  	[sflag:s8] =	ssyncset.s32 @!p0 $0xFFFFF086;
	s6 =	sadd.s32 @!p0 s3, s7;
	s7 =	simm.s32 @!p0 $0x108  }
0x21: {  	s3 =	sadd.s32 s3, s9;
	s6 =	sadd.s32 @!p0 $0x88, s6;
	s7 =	simm.s32 @p2 $0x1082  }
0x22: {  	[simem:s7], [sflag:s8] =	dma.local @!p0 [hbm:s6], $0xF7A  }
0x23: {  	s9 =	sor.u32 $0xD0000000, s2;
	s6 =	simm.s32 $0x108;
	_ =	swait.ge @!p0 [sflag:s8], $0x0  }
0x24: {  	s3 =	sadd.s32 $0x88, s3;
	s6 =	simm.s32 @!p1 $0x1082;
	[sflag:s4] =	ssyncset.s32 $0xFFFFF086  }
0x25: {  	[simem:s6], [sflag:s4] =	dma.local [hbm:s3], $0xF7A  }
0x26: {  	[smem:$0x3F9E] =	sst s1;
	(tag) =	ssettag s2;
	_ =	strace s9  }
0x27: {  	s1 =	sld [smem:$0x3FAE]  }
0x28: {  	s2 =	sld [smem:$0x3FAF]  }
0x29: {  	s4 =	sld [smem:$0x3FB1]  }
0x2a: {  	p0 =	seq.s32 s5, $0x0;
	s5 =	sld [smem:$0x3FB2]  }
0x2b: {  	s6 =	sld [smem:$0x3FB3]  }
0x2c: {  	s7 =	sld [smem:$0x3FB4]  }
0x2d: {  	s3 =	simm.s32 $0x108;
	s8 =	sld [smem:$0x3FB5]  }
0x2e: {  	s3 =	simm.s32 @!p0 $0x1082;
	s9 =	sld [smem:$0x3FB6]  }
0x2f: {  	lr =	sadd.s32 s0, s3;
	s0 =	sld [smem:$0x3FAD]  }
0x30: {  	s3 =	sld [smem:$0x3FB0]  }
0x31: {  	[smem:$0x3FB9] =	sst s10  }
0x32: {  	s10 =	sld [smem:$0x3FB7];
	_ =	sdelay $0x3  }
0x33: {  	p0 =	seq.s32 s10, $0x1;
	s10 =	sld [smem:$0x3FB9];
	_ =	sdelay $0x3  }
0x34: {  	[smem:$0x3FB9] =	sst s10  }
0x35: {  	s10 =	sld [smem:$0x3FB8];
	_ =	sdelay $0x3  }
0x36: {  	p1 =	seq.s32 s10, $0x1;
	s10 =	sld [smem:$0x3FB9];
	_ =	sdelay $0x3  }
0x37: {  	[smem:$0x3FB9] =	sst s10  }
0x38: {  	s10 =	sld [smem:$0x3FBA]  }
0x39: {  	_ = 	snop;
	(pc) =	sbr.ind lr, $3  }
0x3a: {  	_ = 	snop  }
0x3b: {  	_ = 	snop  }
0x3c: {  	p2 =	seq.s32 s10, $0x1;
	s10 =	sld [smem:$0x3FB9]  }
0x3d: {  	_ =	shalt  }
0x3e: {  	_ =	shalt  }
0x3f: {  	_ =	shalt  }
0x40: {  	_ =	shalt  }
0x41: {  	_ =	shalt  }
0x42: {  	_ =	shalt  }
0x43: {  	_ =	shalt  }
0x44: {  	_ =	shalt  }
0x45: {  	_ =	shalt  }
0x46: {  	_ =	shalt  }
0x47: {  	_ =	shalt  }
0x48: {  	_ =	shalt  }
0x49: {  	_ =	shalt  }
0x4a: {  	_ =	shalt  }
0x4b: {  	_ =	shalt  }
0x4c: {  	_ =	shalt  }
0x4d: {  	_ =	shalt  }
0x4e: {  	_ =	shalt  }
0x4f: {  	_ =	shalt  }
0x50: {  	_ =	shalt  }
0x51: {  	_ =	shalt  }
0x52: {  	_ =	shalt  }
0x53: {  	_ =	shalt  }
0x54: {  	_ =	shalt  }
0x55: {  	_ =	shalt  }
0x56: {  	_ =	shalt  }
0x57: {  	_ =	shalt  }
0x58: {  	_ =	shalt  }
0x59: {  	_ =	shalt  }
0x5a: {  	_ =	shalt  }
0x5b: {  	_ =	shalt  }
0x5c: {  	_ =	shalt  }
0x5d: {  	_ =	shalt  }
0x5e: {  	_ =	shalt  }
0x5f: {  	_ =	shalt  }
0x60: {  	_ =	shalt  }
0x61: {  	_ =	shalt  }
0x62: {  	_ =	shalt  }
0x63: {  	_ =	shalt  }
0x64: {  	_ =	shalt  }
0x65: {  	_ =	shalt  }
0x66: {  	_ =	shalt  }
0x67: {  	_ =	shalt  }
0x68: {  	_ =	shalt  }
0x69: {  	_ =	shalt  }
0x6a: {  	_ =	shalt  }
0x6b: {  	_ =	shalt  }
0x6c: {  	_ =	shalt  }
0x6d: {  	_ =	shalt  }
0x6e: {  	_ =	shalt  }
0x6f: {  	_ =	shalt  }
0x70: {  	_ =	shalt  }
0x71: {  	_ =	shalt  }
0x72: {  	_ =	shalt  }
0x73: {  	_ =	shalt  }
0x74: {  	_ =	shalt  }
0x75: {  	_ =	shalt  }
0x76: {  	_ =	shalt  }
0x77: {  	_ =	shalt  }
0x78: {  	_ =	shalt  }
0x79: {  	_ =	shalt  }
0x7a: {  	_ =	shalt  }
0x7b: {  	_ =	shalt  }
0x7c: {  	_ =	shalt  }
0x7d: {  	_ =	shalt  }
0x7e: {  	_ =	shalt  }
0x7f: {  	_ =	shalt  }
0x80: {  	_ =	shalt  }
0x81: {  	_ =	shalt  }
0x82: {  	_ =	shalt  }
0x83: {  	_ =	shalt  }
0x84: {  	_ =	shalt  }
0x85: {  	_ =	shalt  }
0x86: {  	_ =	shalt  }
0x87: {  	_ =	shalt  }
.Lfunc_end0:
.L_simem_size_0:
called_computation_lowered:
.L_overlay_start_0:
0x88: {  	s2 =	sld [smem:$0x3FD9]  }
0x89: {  	s3 =	sld [smem:$0x3FFE];
	_ =	sdelay $0x1  }
0x8a: {  	s1 =	srdreg.scid  }
0x8b: {  	s0 =	sand.u32 $0x1, s1  }
0x8c: {  	s17 =	sshll.u32 s0, $0xA;
	s2 =	sadd.s32 s3, s2  }
0x8d: {  	s2 =	sadd.s32 s2, s17  }
0x8e: {  	[smem:$0x3FC5] =	sst s2  }
0x8f: {  	_ = 	snop  }
0x90: {  	s2 =	sld [smem:$0x3FC9]  }
0x91: {  	s18 =	sld [smem:$0x3FC8]  }
0x92: {  	s4 =	sld [smem:$0x3FC7];
	(tm) =	ssettm $0x1  }
0x93: {  	s5 =	sld [smem:$0x3FFB];
	_ =	sdelay $0x3  }
0x94: {  	_ =	strace s5  }
0x95: {  	s5 =	sld [smem:$0x3FFC];
	_ =	sdelay $0x3  }
0x96: {  	_ =	strace s5  }
0x97: {  	s5 =	sld [smem:$0x3FFD];
	_ =	sdelay $0x3  }
0x98: {  	_ =	strace s5  }
0x99: {  	_ =	strace $0x8FFFFFFF  }
0x9a: {  	s19 =	sld [smem:$0x3FDB];
	_ =	sdelay $0x1  }
0x9b: {  	s6 =	simm.s32 $_scs_section_size  }
0x9c: {  	s7 =	simm.s32 $_size__tile_overlayer_lowered;
	s8 =	simm.s32 $_tile_overlayer_lowered  }
0x9d: {  	s22 =	simm.s32 $0x1BFF;
	s21 =	sshll.u32 s8, $0x1;
	s5 =	sadd.s32 s6, s19  }
0x9e: {  	s9 =	simm.s32 $0x0;
	s20 =	sshll.u32 s7, $0x1;
	s7 =	sadd.s32 s21, s5  }
0x9f: {  	[timem:s9], [sflag:s22] =	dma.local [hbm:s7], s20  }
0xa0: {  	_ =	swait.ge [sflag:s22], s20  }
0xa1: {  	s6 =	ssub.s32 $0x0, s20;
	[sflag:s22] =	ssyncset.done $0x0  }
0xa2: {  	[sflag:s22] =	ssyncadd.s32 s6;
	_ =	sdelay $0x1  }
0xa3: {  	s23 =	simm.s32 $0x1B8B  }
0xa4: {  	_ =	swait.ge [sflag:s23], $0x1  }
0xa5: {  	[sflag:s23] =	ssyncset.done $0x0  }
0xa6: {  	s25 =	simm.s32 $0x1B8E;
	s24 =	sld [smem:$0x3FFE];
	[sflag:s23] =	ssyncadd.s32 $0xFFFFFFFF  }
0xa7: {  	s26 =	simm.s32 $execute0_lowered;
	[smem:$0x3FD2] =	sst s25  }
0xa8: {  	s7 =	sshll.u32 s26, $0x1;
	_ =	strace $0x80000046;
	[dreg:$0x1] =	wrdreg $0xFFFFFFFF  }
0xa9: {  	s28 =	simm.s32 $_size_execute0_lowered;
	s5 =	sadd.s32 s5, s7;
	[dreg:$0x0] =	wrdreg $0x0  }
0xaa: {  	s7 =	sshll.u32 s28, $0x1;
	[dreg:$0x2] =	wrdreg s5  }
0xab: {  	[dreg:$0x3] =	wrdreg s7  }
0xac: {  	[dreg:$0x4] =	wrdreg $0xC0  }
0xad: {  	_ =	task [dreg:s9], $0x5FFFF  }
0xae: {  	[dreg:$0x1] =	wrdreg $0xFFFFFFFF  }
0xaf: {  	[dreg:$0x0] =	wrdreg $0x60  }
0xb0: {  	[dreg:$0x2] =	wrdreg s2  }
0xb1: {  	[dreg:$0x3] =	wrdreg s18  }
0xb2: {  	[dreg:$0x4] =	wrdreg s4  }
0xb3: {  	[dreg:$0x5] =	wrdreg s24  }
0xb4: {  	[dreg:$0x6] =	wrdreg $0x9  }
0xb5: {  	_ =	task.clear_ibuf [dreg:s9], $0x7FFFF;
	_ =	strace $0x90000046  }
0xb6: {  	s29 =	simm.s32 $0x9;
	_ =	strace $0x80000048  }
0xb7: {  	_ =	swait.ge [sflag:s29], $0x1  }
0xb8: {  	[sflag:s29] =	ssyncadd.s32 $0xFFFFFFFF  }
0xb9: {  	_ =	strace $0x90000048  }
0xba: {  	_ =	sfence  }
0xbb: {  	s30 =	sld [smem:$0x0];
	_ =	sdelay $0x2  }
0xbc: {  	s31 =	sshll.u32 s1, $0xD;
	s1 =	sshrl.u32 s1, $0x2  }
0xbd: {  	s3 =	sand.u32 $0x4000, s31;
	s1 =	sadd.s32 s1, s30  }
0xbe: {  	s0 =	sor.u32 s3, s0;
	s1 =	sshll.u32 s1, $0x11  }
0xbf: {  	s0 =	sor.u32 s1, s0  }
0xc0: {  	s0 =	sadd.s32 $0x8F2B, s0  }
0xc1: {  	[sflag:s0] =	ssyncadd.remote.s32 $0x1  }
0xc2: {  	_ =	sfence.sel $0xFFFF  }
0xc3: {  	[dreg:$0x0] =	wrdreg $0xFFFFFFFF;
	(pc) =	sbr.abs _section_cstart, $3  }
0xc4: {  	[dreg:$0x1] =	wrdreg $0xFFFFFFFF  }
0xc5: {  	_ =	task.clear_ibuf [dreg:s9], $0x2FFFF;
	_ =	strace $0x9FFFFFFF  }
0xc6: {  	(tm) =	ssettm $0x7FFFFFFF  }
0xc7: {  	_ =	shalt  }
tec
execute0_lowered:
.L_overlay_start_1:
0x0: {  	(tag) =	ssettag $0x1  }
0x1: {  	s2 =	rddreg [dreg:$0x0]  }
0x2: {  	s4 =	rddreg [dreg:$0x1]  }
0x3: {  	s9 =	rddreg [dreg:$0x2]  }
0x4: {  	s1 =	srdreg.scid;
	s0 =	stileid.u32  }
0x5: {  	s12 =	rddreg [dreg:$0x3];
	s13 =	sand.u32 $0x1, s1;
	s5 =	sshll.u32 s0, $0x1  }
0x6: {  	s3 =	simm.s32 $0x0;
	s1 =	rddreg [dreg:$0x4];
	s14 =	sor.u32 s13, s5  }
0x7: {  	[smem:$0x7FF] =	sst s3;
	s10 =	sshll.u32 s14, $0x2  }
0x8: {  	_ =	strace $0x80000047;
	s5 =	sadd.s32 s4, s10;
	s4 =	simm.s32 $0x2  }
0x9: {  	[tilespmem:s3], [sflag:$0x2] =	stream.linear.gather [hbm4b:s5+s3], $0x20, $0x38;
	[tilespmem:$0x8200] =	vst v63  }
0xa: {  	_ =	swait.ge [sflag:s4], $0x20  }
0xb: {  	[sflag:s4] =	ssyncset.done $0x0  }
0xc: {  	[sflag:s4] =	ssyncadd.s32 $0xFFFFFFE0  }
0xd: {  	v1 =	vld [tilespmem:$0x0]  }
0xe: {  	v2 =	vld [tilespmem:$0x10];
	_ =	sdelay $0x2  }
0xf: {  	s6 =	sshrl.u32 s0, $0x1  }
0x10: {  	v0 =	vmov s6;
	v3 =	vand.u32 $0xFFFFFFF8, v1  }
0x11: {  	v4 =	vand.u32 $0xFFFFFFF8, v2;
	v3 =	vor.u32 v0, v3  }
0x12: {  	s7 =	simm.s32 $0x100;
	[tilespmem:$0x100] =	vst v3;
	v3 =	vor.u32 v0, v4  }
0x13: {  	s8 =	simm.s32 $0x180;
	s6 =	simm.s32 $0x20;
	s11 =	sshll.u32 s14, $0x5;
	[tilespmem:$0x110] =	vst v3  }
0x14: {  	v3 =	vlaneseq.u32;
	[tilespmem:s8], [sflag:$0x1] =	stream.indirect.gather [hbm4b:s2+s6], $0x400, s7, s6, $0xb8;
	[tilespmem:$0x8200] =	vst v63  }
0x15: {  	s11 =	sand.u32 $0x60, s11;
	s9 =	sadd.s32 s9, s10;
	s10 =	simm.s32 $0x80;
	v3 =	vmul.u32 $0x401, v3  }
0x16: {  	v62 =	vshll.u32 v1, $0x7;
	[tilespmem:s10], [sflag:$0x2] =	stream.linear.gather [hbm4b:s9+s3], $0x20, $0x38;
	[tilespmem:$0x8200] =	vst v63  }
0x17: {  	v4 =	vand.u32 $0x380, v62;
	v1 =	vor.u32 s11, v3;
	_ =	swait.ge [sflag:s4], $0x20  }
0x18: {  	v5 =	vshll.u32 v2, $0x7;
	v3 =	vadd.s32 $0x4010, v3;
	v4 =	vor.u32 v4, v1;
	[sflag:s4] =	ssyncset.done $0x0  }
0x19: {  	v2 =	vor.u32 s11, v3;
	s11 =	simm.s32 $0x1;
	v3 =	vand.u32 $0x380, v5;
	[sflag:s4] =	ssyncadd.s32 $0xFFFFFFE0  }
0x1a: {  	v3 =	vor.u32 v3, v2;
	_ =	swait.ge [sflag:s11], $0x8000  }
0x1b: {  	[sflag:s11] =	ssyncset.done $0x0  }
0x1c: {  	[sflag:s11] =	ssyncadd.s32 $0xFFFF8000  }
0x1d: {  	v4 =	vld.idx.msk [tilespmem:v4+s8+$0x0], $0xffff  }
0x1e: {  	v63 =	vld [tilespmem:$0x80]  }
0x1f: {  	v3 =	vld.idx.msk [tilespmem:v3+s8+$0x0], $0xffff  }
0x20: {  	v6 =	vld [tilespmem:$0x90];
	_ =	sdelay $0x2  }
0x21: {  	s13 =	ssub.s32 $0x2, s13;
	v4 =	vmul.f32 v63, v4  }
0x22: {  	s15 =	sshrl.u32 s13, $0x1  }
0x23: {  	s13 =	ssub.s32 s13, s15;
	v3 =	vmul.f32 v6, v3;
	v4 =	vadd.f32 $0.0e+00, v4  }
0x24: {  	s31 =	smax.u32 s13, $0x1  }
0x25: {  	p0 =	sne.s32 s31, $0x1;
	v3 =	vadd.f32 v3, v4  }
.Ltmp0:
0x26: {  	_ = 	snop;
	(pc) =	sbr.rel @!p0 .LBB2_2-.Ltmp0, $4  }
0x27: {  	v3 =	vsub.f32 $0.0e+00, v3  }
0x28: {  	s14 =	sshll.u32 s14, $0x4  }
0x29: {  	s12 =	sadd.s32 s12, s14;
	s13 =	simm.s32 $0x8180;
	s14 =	sadd.s32 $0xFFFFFFFF, s31;
	[tilespmem:$0x8180] =	vst v3  }
0x2a: {  	[hbm4b:s12+s3] =	stream.linear.scatter [tilespmem:s13], [sflag:$0x2], $0x80, $0x38;
	[tilespmem:$0x8200] =	vst v63  }
.LBB2_1:
0x2b: {  	p0 =	sne.s32 s14, $0x1;
	s14 =	sadd.s32 $0xFFFFFFFF, s14  }
0x2c: {  	_ =	swait.ge [sflag:s4], $0x80  }
0x2d: {  	[sflag:s4] =	ssyncset.done $0x0  }
0x2e: {  	[sflag:s4] =	ssyncadd.s32 $0xFFFFFF80  }
0x2f: {  	[tilespmem:s3], [sflag:$0x2] =	stream.linear.gather [hbm4b:s5+s3], $0x20, $0x38;
	[tilespmem:$0x8200] =	vst v63  }
0x30: {  	_ =	swait.ge [sflag:s4], $0x20  }
0x31: {  	[sflag:s4] =	ssyncset.done $0x0  }
0x32: {  	[sflag:s4] =	ssyncadd.s32 $0xFFFFFFE0  }
0x33: {  	v3 =	vld [tilespmem:$0x0]  }
0x34: {  	v4 =	vld [tilespmem:$0x10];
	_ =	sdelay $0x3  }
0x35: {  	v5 =	vand.u32 $0xFFFFFFF8, v3;
	v3 =	vshll.u32 v3, $0x7  }
0x36: {  	v5 =	vor.u32 v0, v5;
	v6 =	vand.u32 $0xFFFFFFF8, v4;
	v3 =	vand.u32 $0x380, v3  }
0x37: {  	v4 =	vshll.u32 v4, $0x7;
	[tilespmem:$0x100] =	vst v5;
	v5 =	vor.u32 v0, v6  }
0x38: {  	v4 =	vand.u32 $0x380, v4;
	[tilespmem:$0x110] =	vst v5  }
0x39: {  	[tilespmem:s8], [sflag:$0x1] =	stream.indirect.gather [hbm4b:s2+s6], $0x400, s7, s6, $0xb8;
	[tilespmem:$0x8200] =	vst v63  }
0x3a: {  	_ = 	snop  }
0x3b: {  	[tilespmem:s10], [sflag:$0x2] =	stream.linear.gather [hbm4b:s9+s3], $0x20, $0x38;
	[tilespmem:$0x8200] =	vst v63  }
0x3c: {  	_ =	swait.ge [sflag:s4], $0x20  }
0x3d: {  	v3 =	vor.u32 v3, v1;
	[sflag:s4] =	ssyncset.done $0x0  }
0x3e: {  	[sflag:s4] =	ssyncadd.s32 $0xFFFFFFE0  }
0x3f: {  	v4 =	vor.u32 v4, v2;
	_ =	swait.ge [sflag:s11], $0x8000  }
0x40: {  	[sflag:s11] =	ssyncset.done $0x0  }
0x41: {  	[sflag:s11] =	ssyncadd.s32 $0xFFFF8000  }
0x42: {  	v3 =	vld.idx.msk [tilespmem:v3+s8+$0x0], $0xffff  }
0x43: {  	v5 =	vld [tilespmem:$0x80]  }
0x44: {  	v4 =	vld.idx.msk [tilespmem:v4+s8+$0x0], $0xffff  }
0x45: {  	v6 =	vld [tilespmem:$0x90];
	_ =	sdelay $0x2  }
0x46: {  	v3 =	vmul.f32 v5, v3;
	_ =	sdelay $0x1  }
0x47: {  	v3 =	vadd.f32 $0.0e+00, v3;
	v4 =	vmul.f32 v6, v4;
	_ =	sdelay $0x1  }
0x48: {  	v3 =	vadd.f32 v4, v3  }
.Ltmp1:
0x49: {  	(pc) =	sbr.rel @p0 .LBB2_1-.Ltmp1, $3  }
0x4a: {  	v3 =	vsub.f32 $0.0e+00, v3;
	_ =	sdelay $0x1  }
0x4b: {  	[tilespmem:$0x8180] =	vst v3  }
0x4c: {  	[hbm4b:s12+s3] =	stream.linear.scatter [tilespmem:s13], [sflag:$0x2], $0x80, $0x38;
	[tilespmem:$0x8200] =	vst v63  }
.LBB2_2:
0x4d: {  	_ =	swait.ge [sflag:s4], $0x80  }
0x4e: {  	[sflag:s4] =	ssyncset.done $0x0  }
0x4f: {  	[sflag:s4] =	ssyncadd.s32 $0xFFFFFF80  }
0x50: {  	_ =	sfence.sel $0x180000  }
0x51: {  	[bflag:$0x0] =	sbarrier.arrive $0xFFFF  }
0x52: {  	p0 =	sne.s32 s0, $0x0;
	_ =	strace $0x90000047  }
0x53: {  	s0 =	sadd.s32 @!p0 $0x100000, s1;
	[bflag:$0x2] =	sbarrier.arrive $0xFFFF  }
0x54: {  	[sflag:s0] =	ssyncadd.tile.s32 @!p0 $0x1;
	_ =	shalt  }
.Lfunc_end2:
_tile_overlayer_lowered:
.L_overlay_start_2:
0x55: {  	(tag) =	ssettag $0x2  }
0x56: {  	s0 =	rddreg [dreg:$0x0];
	s2 =	stileid.u32  }
0x57: {  	s1 =	rddreg [dreg:$0x1];
	p0 =	sne.s32 s2, $0x0  }
0x58: {  	s3 =	rddreg [dreg:$0x2];
	[bflag:$0x3] =	sbarrier.arrive $0xFFFF;
	s2 =	simm.s32 @!p0 $0x1C02  }
0x59: {  	[timem:s3], [sflag:s2] =	dma.local @!p0 [hbm:s0], s1  }
0x5a: {  	s0 =	simm.s32 @!p0 $0x2  }
0x5b: {  	_ =	swait.ge @!p0 [sflag:s0], s1  }
0x5c: {  	s1 =	ssub.s32 @!p0 $0x0, s1;
	[sflag:s0] =	ssyncset.done @!p0 $0x0  }
0x5d: {  	[sflag:s0] =	ssyncadd.s32 @!p0 s1  }
0x5e: {  	[bflag:$0x3] =	sbarrier.arrive $0xFFFF  }
0x5f: {  	_ =	shalt  }

</sc_bundles>
